<compile_context>
chip_gen: v7x
topology: tpu7x:2x2x1
jax: 0.10.2.dev20260603
libtpu: 0.0.44.dev20260713+nightly
codegen_flags: <defaults>
</compile_context>

<pallas_src>
import functools

import jax
import jax.numpy as jnp
from jax import lax
from jax.experimental import pallas as pl
from jax.experimental.pallas import tpu as pltpu
from jax.experimental.pallas import tpu_sc as plsc

B = 4096
L = 20
H = 64
DP = 8
BV = 96
GV = 104
BB = 2048
NB = B // BB

NC = 2
NS = 16
NW = NC * NS

CNT_N = 2 * B
_CNT_PW = CNT_N // NW


def _sc_gather_count(count_t, cnt_idx):
    mesh = plsc.VectorSubcoreMesh(core_axis_name="c", subcore_axis_name="s")

    @functools.partial(
        pl.kernel,
        mesh=mesh,
        compiler_params=pltpu.CompilerParams(use_tc_tiling_on_sc=False),
        out_type=jax.ShapeDtypeStruct((CNT_N, DP), jnp.float32),
        scratch_types=[
            pltpu.VMEM((_CNT_PW,), jnp.int32),
            pltpu.VMEM((_CNT_PW, DP), jnp.float32),
            pltpu.SemaphoreType.DMA,
        ],
    )
    def k(count_hbm, cnt_i_hbm, cnt_out, cnt_iv, cnt_rv, sem):
        wid = lax.axis_index("s") * NC + lax.axis_index("c")
        cb = wid * _CNT_PW
        pltpu.sync_copy(cnt_i_hbm.at[pl.ds(cb, _CNT_PW)], cnt_iv)
        pltpu.async_copy(count_hbm.at[cnt_iv], cnt_rv, sem).wait()
        pltpu.sync_copy(cnt_rv, cnt_out.at[pl.ds(cb, _CNT_PW)])

    return k(count_t, cnt_idx)


def _tc_body_a(seq_ref, gi_ref, ii_ref, mr_ref, btT_ref,
               wihT_ref, baseT_ref, whh_ref, b2_ref,
               wgT_ref, genoT_ref, wbiT_ref, wbmT_ref,
               whfT_ref, whtT_ref, brc_ref, acc_ref):
    f32 = jnp.float32
    bf16 = jnp.bfloat16
    wxT = jnp.dot(wihT_ref[...], baseT_ref[...],
                  preferred_element_type=f32).astype(bf16)
    whh = whh_ref[...].astype(bf16)
    b2 = b2_ref[...]
    iotaB = lax.broadcasted_iota(jnp.int32, (BV, 2 * BB), 0).astype(f32)

    h0 = jnp.zeros((H, 2 * BB), f32)
    c0 = jnp.zeros((H, 2 * BB), f32)

    def step(t, carry):
        h, c = carry
        oh = (iotaB == seq_ref[t][None, :]).astype(bf16)
        g = (jnp.dot(wxT, oh, preferred_element_type=f32)
             + jnp.dot(whh, h.astype(bf16), preferred_element_type=f32) + b2)
        gi = jax.nn.sigmoid(g[0:H, :])
        gf = jax.nn.sigmoid(g[H:2 * H, :])
        gg = jnp.tanh(g[2 * H:3 * H, :])
        go = jax.nn.sigmoid(g[3 * H:4 * H, :])
        c = gf * c + gi * gg
        h = go * jnp.tanh(c)
        return h, c

    h, _ = lax.fori_loop(0, L, step, (h0, c0))

    acc = brc_ref[...] + jnp.dot(whfT_ref[...], h[:, 0:BB],
                                 preferred_element_type=f32)
    acc = acc + jnp.dot(whtT_ref[...], h[:, BB:2 * BB],
                        preferred_element_type=f32)
    wgeff = jnp.dot(wgT_ref[...], genoT_ref[...], preferred_element_type=f32)
    iotaG = lax.broadcasted_iota(jnp.int32, (GV, BB), 0).astype(f32)
    ohg = (iotaG == gi_ref[...]).astype(f32)
    acc = acc + jnp.dot(wgeff, ohg, preferred_element_type=f32)
    cIT = jnp.dot(wbiT_ref[...], btT_ref[...], preferred_element_type=f32)
    cMT = jnp.dot(wbmT_ref[...], btT_ref[...], preferred_element_type=f32)
    acc = acc + cIT[:, 0:1] + ii_ref[...] * (cIT[:, 1:2] - cIT[:, 0:1])
    acc = acc + cMT[:, 0:1] + mr_ref[...] * (cMT[:, 1:2] - cMT[:, 0:1])
    acc_ref[...] = acc


def _tc_body_b(acc_ref, cntT_ref, wfT_ref, wvT_ref, out_ref):
    f32 = jnp.float32
    o = (acc_ref[...]
         + jnp.dot(wfT_ref[...], cntT_ref[0], preferred_element_type=f32)
         + jnp.dot(wvT_ref[...], cntT_ref[1], preferred_element_type=f32))
    out_ref[...] = jnp.maximum(o, 0.0)


def kernel(gobyGenotypeIndex, isIndel, matchesReference, fromSequence, toSequence,
           genotypeCountForwardStrand, genotypeCountReverseStrand,
           geno_table, bool_table, base_table, count_table,
           W_ih, W_hh, b_ih, b_hh, W_red, b_red):
    i32 = jnp.int32
    f32 = jnp.float32

    cnt_idx = jnp.concatenate(
        [genotypeCountForwardStrand, genotypeCountReverseStrand],
        axis=0).astype(i32)
    count8 = jnp.pad(count_table.astype(f32), ((0, 0), (0, DP - 5)))
    emb_cnt = _sc_gather_count(count8, cnt_idx)
    cntT = jnp.transpose(emb_cnt.reshape(2, B, DP), (0, 2, 1))

    fr = fromSequence.astype(f32).reshape(NB, BB, L)
    to = toSequence.astype(f32).reshape(NB, BB, L)
    seqf = jnp.stack([fr, to], axis=1).transpose(3, 0, 1, 2).reshape(L, 2 * B)

    gidx = gobyGenotypeIndex.astype(f32).reshape(1, B)
    ii = isIndel.astype(f32).reshape(1, B)
    mr = matchesReference.astype(f32).reshape(1, B)

    wihT = jnp.pad(W_ih.astype(f32), ((0, 0), (0, DP - 6)))
    baseT = jnp.pad(base_table.astype(f32).T, ((0, DP - 6), (0, BV - 85)))
    whh = W_hh.astype(f32)
    b2 = (b_ih + b_hh).astype(f32).reshape(4 * H, 1)
    wr = W_red.astype(f32)
    wgT = jnp.pad(wr[0:4].T, ((0, 0), (0, DP - 4)))
    genoT = jnp.pad(geno_table.astype(f32).T,
                    ((0, DP - 4), (0, GV - 100)))
    wbiT = wr[4:6].T
    wbmT = wr[6:8].T
    whfT = wr[8:72].T
    whtT = wr[72:136].T
    wfT = jnp.pad(wr[136:141].T, ((0, 0), (0, DP - 5)))
    wvT = jnp.pad(wr[141:146].T, ((0, 0), (0, DP - 5)))
    brc = b_red.astype(f32).reshape(H, 1)
    btT = bool_table.astype(f32).T

    const = lambda shape: pl.BlockSpec(shape, lambda i: (0,) * len(shape))
    accT = pl.pallas_call(
        _tc_body_a,
        grid=(NB,),
        in_specs=[
            pl.BlockSpec((L, 2 * BB), lambda i: (0, i)),
            pl.BlockSpec((1, BB), lambda i: (0, i)),
            pl.BlockSpec((1, BB), lambda i: (0, i)),
            pl.BlockSpec((1, BB), lambda i: (0, i)),
            const((2, 2)),
            const((4 * H, DP)),
            const((DP, BV)),
            const((4 * H, H)),
            const((4 * H, 1)),
            const((H, DP)),
            const((DP, GV)),
            const((H, 2)),
            const((H, 2)),
            const((H, H)),
            const((H, H)),
            const((H, 1)),
        ],
        out_specs=pl.BlockSpec((H, BB), lambda i: (0, i)),
        out_shape=jax.ShapeDtypeStruct((H, B), f32),
    )(seqf, gidx, ii, mr, btT, wihT, baseT, whh, b2,
      wgT, genoT, wbiT, wbmT, whfT, whtT, brc)

    outT = pl.pallas_call(
        _tc_body_b,
        out_shape=jax.ShapeDtypeStruct((H, B), f32),
    )(accT, cntT, wfT, wvT)
    return outT.T

# --- scband reference (transcript-rebuilt; emitter-appended) ---
"""Pipeline reference for scband-map-count-info-5703716569289 (READ-ONLY COPY).

The authoritative reference and input builder live on the scoring server;
editing this copy changes nothing except your own understanding.
"""

import jax, jax.numpy as jnp
import numpy as np

B = 4096
L = 20
GENO_VOCAB = 100
COUNT_VOCAB = 100000
BASE_VOCAB = 85
D_GENO = 4
D_BOOL = 2
D_BASE = 6
D_COUNT = 5
H = 64
CONCAT = D_GENO + 2 * D_BOOL + 2 * H + 2 * D_COUNT  # 146


def setup_inputs(seed: int = 0) -> dict:
    key = jax.random.key(seed)
    ks = jax.random.split(key, 18)
    return {
        "gobyGenotypeIndex": jax.random.randint(ks[0], (B,), 0, GENO_VOCAB),
        "isIndel": jax.random.randint(ks[1], (B,), 0, 2),
        "matchesReference": jax.random.randint(ks[2], (B,), 0, 2),
        "fromSequence": jax.random.randint(ks[3], (B, L), 0, BASE_VOCAB),
        "toSequence": jax.random.randint(ks[4], (B, L), 0, BASE_VOCAB),
        "genotypeCountForwardStrand": jax.random.randint(ks[5], (B,), 0, COUNT_VOCAB),
        "genotypeCountReverseStrand": jax.random.randint(ks[6], (B,), 0, COUNT_VOCAB),
        "geno_table": jax.random.normal(ks[7], (GENO_VOCAB, D_GENO), dtype=jnp.float32),
        "bool_table": jax.random.normal(ks[8], (2, D_BOOL), dtype=jnp.float32),
        "base_table": jax.random.normal(ks[9], (BASE_VOCAB, D_BASE), dtype=jnp.float32),
        "count_table": jax.random.normal(ks[10], (COUNT_VOCAB, D_COUNT), dtype=jnp.float32),
        "W_ih": jax.random.normal(ks[11], (4 * H, D_BASE), dtype=jnp.float32) * 0.1,
        "W_hh": jax.random.normal(ks[12], (4 * H, H), dtype=jnp.float32) * 0.1,
        "b_ih": jnp.zeros((4 * H,), dtype=jnp.float32),
        "b_hh": jnp.zeros((4 * H,), dtype=jnp.float32),
        "W_red": jax.random.normal(ks[13], (CONCAT, H), dtype=jnp.float32) * 0.05,
        "b_red": jnp.zeros((H,), dtype=jnp.float32),
    }


def _lstm_last(x, W_ih, W_hh, b_ih, b_hh):
    # x: [B, L, D]; single-layer LSTM, return last hidden state [B, H]
    Bn = x.shape[0]
    Hn = W_hh.shape[1]
    h0 = jnp.zeros((Bn, Hn), dtype=x.dtype)
    c0 = jnp.zeros((Bn, Hn), dtype=x.dtype)

    def step(carry, xt):
        h, c = carry
        g = xt @ W_ih.T + h @ W_hh.T + b_ih + b_hh
        i, f, gg, o = jnp.split(g, 4, axis=-1)
        i = jax.nn.sigmoid(i)
        f = jax.nn.sigmoid(f)
        gg = jnp.tanh(gg)
        o = jax.nn.sigmoid(o)
        c = f * c + i * gg
        h = o * jnp.tanh(c)
        return (h, c), None

    xs = jnp.swapaxes(x, 0, 1)  # [L, B, D]
    (h, c), _ = jax.lax.scan(step, (h0, c0), xs)
    return h


def reference(gobyGenotypeIndex, isIndel, matchesReference, fromSequence, toSequence,
              genotypeCountForwardStrand, genotypeCountReverseStrand,
              geno_table, bool_table, base_table, count_table,
              W_ih, W_hh, b_ih, b_hh, W_red, b_red):
    # IntegerModel lookups (embedding gathers)
    e_geno = jnp.take(geno_table, gobyGenotypeIndex, axis=0)          # [B, 4]
    e_indel = jnp.take(bool_table, isIndel, axis=0)                   # [B, 2]
    e_match = jnp.take(bool_table, matchesReference, axis=0)          # [B, 2]
    # MapSequence: base-embedding gather then RNN over the sequence
    from_emb = jnp.take(base_table, fromSequence, axis=0)             # [B, L, 6]
    to_emb = jnp.take(base_table, toSequence, axis=0)                 # [B, L, 6]
    h_from = _lstm_last(from_emb, W_ih, W_hh, b_ih, b_hh)             # [B, 64]
    h_to = _lstm_last(to_emb, W_ih, W_hh, b_ih, b_hh)                 # [B, 64]
    # count embedding lookups into the large 100k-row table
    e_fwd = jnp.take(count_table, genotypeCountForwardStrand, axis=0) # [B, 5]
    e_rev = jnp.take(count_table, genotypeCountReverseStrand, axis=0) # [B, 5]
    cat = jnp.concatenate([e_geno, e_indel, e_match, h_from, h_to, e_fwd, e_rev], axis=-1)  # [B, 146]
    return jax.nn.relu(cat @ W_red + b_red)                           # [B, 64]

if __name__ == "__main__":
    import jax
    _d = setup_inputs()
    print(jax.jit(kernel)(*tuple(_d.values())))

</pallas_src>

<mosaic_0001>
#map = affine_map<(d0, d1) -> (0, 0)>
#map1 = affine_map<(d0, d1) -> (0)>
module attributes {stable_mosaic.version = 14 : i64} {
  func.func @k(%arg0: i32, %arg1: i32, %arg2: memref<100000x8xf32, #tpu.memory_space<hbm>>, %arg3: memref<8192xi32, #tpu.memory_space<hbm>>, %arg4: memref<8192x8xf32, #tpu.memory_space<hbm>>, %arg5: memref<256xi32, #tpu.memory_space<vmem>>, %arg6: memref<256x8xf32, #tpu.memory_space<vmem>>, %arg7: memref<!tpu.dma_semaphore, #tpu.memory_space<semaphore_mem>>) attributes {dimension_semantics = [#tpu.dimension_semantics<core_parallel>, #tpu.dimension_semantics<subcore_parallel>], iteration_bounds = array<i64: 2, 16>, scalar_prefetch = 0 : i64, scratch_operands = 3 : i64, tpu.core_type = #tpu.core_type<sc_vector_subcore>, window_params = [{transform_indices = #map}, {transform_indices = #map1}, {transform_indices = #map}]} {
    %mul3A = arith.constant 2 : i32
    %mul3A_0 = arith.muli %arg1, %mul3A : i32
    %add3A = arith.addi %mul3A_0, %arg0 : i32
    %mul3A_1 = arith.constant 256 : i32
    %mul3A_2 = arith.muli %add3A, %mul3A_1 : i32
    "tpu.region"() ({
      %run_scoped3A = tpu.sem_alloc : memref<!tpu.dma_semaphore, #tpu.memory_space<semaphore_mem>>
      %dma_start3A_7 = tpu.memref_slice %arg3[%mul3A_2] : memref<8192xi32, #tpu.memory_space<hbm>> -> memref<256xi32, #tpu.memory_space<hbm>>
      %dma_start3A_8 = tpu.memref_slice %arg3[%mul3A_2] : memref<8192xi32, #tpu.memory_space<hbm>> -> memref<256xi32, #tpu.memory_space<hbm>>
      tpu.enqueue_dma source(%dma_start3A_8 : memref<256xi32, #tpu.memory_space<hbm>>) target(%arg5 : memref<256xi32, #tpu.memory_space<vmem>>) target_semaphore(%run_scoped3A : memref<!tpu.dma_semaphore, #tpu.memory_space<semaphore_mem>>)
      %dma_wait3A_9 = tpu.memref_slice %arg3[%mul3A_2] : memref<8192xi32, #tpu.memory_space<hbm>> -> memref<256xi32, #tpu.memory_space<hbm>>
      %dma_wait3A_10 = tpu.memref_slice %arg3[%mul3A_2] : memref<8192xi32, #tpu.memory_space<hbm>> -> memref<256xi32, #tpu.memory_space<hbm>>
      tpu.wait_dma2 semaphore(%run_scoped3A : memref<!tpu.dma_semaphore, #tpu.memory_space<semaphore_mem>>) src(%dma_wait3A_10 : memref<256xi32, #tpu.memory_space<hbm>>) dst(%arg5 : memref<256xi32, #tpu.memory_space<vmem>>)
      tpu.yield
    }) : () -> ()
    %dma_start3A = arith.constant 0 : i32
    %dma_start3A_3 = arith.constant 0 : i32
    %dma_start3A_4 = tpu.memref_slice %arg2[%dma_start3A, %dma_start3A_3] : memref<100000x8xf32, #tpu.memory_space<hbm>> -> memref<100000x8xf32, #tpu.memory_space<hbm>>
    tpu.enqueue_indirect_dma source(%dma_start3A_4 : memref<100000x8xf32, #tpu.memory_space<hbm>>) target(%arg6 : memref<256x8xf32, #tpu.memory_space<vmem>>) offsets(%arg5 : memref<256xi32, #tpu.memory_space<vmem>>) semaphore(%arg7 : memref<!tpu.dma_semaphore, #tpu.memory_space<semaphore_mem>>)
    %dma_wait3A = arith.constant 0 : i32
    %dma_wait3A_5 = arith.constant 0 : i32
    %dma_wait3A_6 = tpu.memref_slice %arg2[%dma_wait3A, %dma_wait3A_5] : memref<100000x8xf32, #tpu.memory_space<hbm>> -> memref<100000x8xf32, #tpu.memory_space<hbm>>
    tpu.wait_indirect_dma semaphore(%arg7 : memref<!tpu.dma_semaphore, #tpu.memory_space<semaphore_mem>>) src(%dma_wait3A_6 : memref<100000x8xf32, #tpu.memory_space<hbm>>) dst(%arg6 : memref<256x8xf32, #tpu.memory_space<vmem>>)
    "tpu.region"() ({
      %run_scoped3A = tpu.sem_alloc : memref<!tpu.dma_semaphore, #tpu.memory_space<semaphore_mem>>
      %dma_start3A_7 = arith.constant 0 : i32
      %dma_start3A_8 = tpu.memref_slice %arg4[%mul3A_2, %dma_start3A_7] : memref<8192x8xf32, #tpu.memory_space<hbm>> -> memref<256x8xf32, #tpu.memory_space<hbm>>
      %dma_start3A_9 = arith.constant 0 : i32
      %dma_start3A_10 = tpu.memref_slice %arg4[%mul3A_2, %dma_start3A_9] : memref<8192x8xf32, #tpu.memory_space<hbm>> -> memref<256x8xf32, #tpu.memory_space<hbm>>
      tpu.enqueue_dma source(%arg6 : memref<256x8xf32, #tpu.memory_space<vmem>>) target(%dma_start3A_10 : memref<256x8xf32, #tpu.memory_space<hbm>>) target_semaphore(%run_scoped3A : memref<!tpu.dma_semaphore, #tpu.memory_space<semaphore_mem>>)
      %dma_wait3A_11 = arith.constant 0 : i32
      %dma_wait3A_12 = tpu.memref_slice %arg4[%mul3A_2, %dma_wait3A_11] : memref<8192x8xf32, #tpu.memory_space<hbm>> -> memref<256x8xf32, #tpu.memory_space<hbm>>
      %dma_wait3A_13 = arith.constant 0 : i32
      %dma_wait3A_14 = tpu.memref_slice %arg4[%mul3A_2, %dma_wait3A_13] : memref<8192x8xf32, #tpu.memory_space<hbm>> -> memref<256x8xf32, #tpu.memory_space<hbm>>
      tpu.wait_dma2 semaphore(%run_scoped3A : memref<!tpu.dma_semaphore, #tpu.memory_space<semaphore_mem>>) src(%arg6 : memref<256x8xf32, #tpu.memory_space<vmem>>) dst(%dma_wait3A_14 : memref<256x8xf32, #tpu.memory_space<hbm>>)
      tpu.yield
    }) : () -> ()
    return
  }
}

module attributes {stable_mosaic.version = 14 : i64} {
  func.func @_tc_body_a(%arg0: i32, %arg1: memref<20x4096xf32, #tpu.memory_space<vmem>>, %arg2: memref<1x2048xf32, #tpu.memory_space<vmem>>, %arg3: memref<1x2048xf32, #tpu.memory_space<vmem>>, %arg4: memref<1x2048xf32, #tpu.memory_space<vmem>>, %arg5: memref<2x2xf32, #tpu.memory_space<vmem>>, %arg6: memref<256x8xf32, #tpu.memory_space<vmem>>, %arg7: memref<8x96xf32, #tpu.memory_space<vmem>>, %arg8: memref<256x64xf32, #tpu.memory_space<vmem>>, %arg9: memref<256x1xf32, #tpu.memory_space<vmem>>, %arg10: memref<64x8xf32, #tpu.memory_space<vmem>>, %arg11: memref<8x104xf32, #tpu.memory_space<vmem>>, %arg12: memref<64x2xf32, #tpu.memory_space<vmem>>, %arg13: memref<64x2xf32, #tpu.memory_space<vmem>>, %arg14: memref<64x64xf32, #tpu.memory_space<vmem>>, %arg15: memref<64x64xf32, #tpu.memory_space<vmem>>, %arg16: memref<64x1xf32, #tpu.memory_space<vmem>>, %arg17: memref<64x2048xf32, #tpu.memory_space<vmem>>) attributes {dimension_semantics = [#tpu.dimension_semantics<arbitrary>], iteration_bounds = array<i64: 2>, scalar_prefetch = 0 : i64, scratch_operands = 0 : i64, tpu.core_type = #tpu.core_type<tc>, window_params = [{transform_indices = @transform_0, window_bounds = array<i64: 20, 4096>}, {transform_indices = @transform_1, window_bounds = array<i64: 1, 2048>}, {transform_indices = @transform_2, window_bounds = array<i64: 1, 2048>}, {transform_indices = @transform_3, window_bounds = array<i64: 1, 2048>}, {pipeline_mode = #tpu.pipeline_mode<synchronous>, transform_indices = @transform_4, window_bounds = array<i64: 2, 2>}, {pipeline_mode = #tpu.pipeline_mode<synchronous>, transform_indices = @transform_5, window_bounds = array<i64: 256, 8>}, {pipeline_mode = #tpu.pipeline_mode<synchronous>, transform_indices = @transform_6, window_bounds = array<i64: 8, 96>}, {pipeline_mode = #tpu.pipeline_mode<synchronous>, transform_indices = @transform_7, window_bounds = array<i64: 256, 64>}, {pipeline_mode = #tpu.pipeline_mode<synchronous>, transform_indices = @transform_8, window_bounds = array<i64: 256, 1>}, {pipeline_mode = #tpu.pipeline_mode<synchronous>, transform_indices = @transform_9, window_bounds = array<i64: 64, 8>}, {pipeline_mode = #tpu.pipeline_mode<synchronous>, transform_indices = @transform_10, window_bounds = array<i64: 8, 104>}, {pipeline_mode = #tpu.pipeline_mode<synchronous>, transform_indices = @transform_11, window_bounds = array<i64: 64, 2>}, {pipeline_mode = #tpu.pipeline_mode<synchronous>, transform_indices = @transform_12, window_bounds = array<i64: 64, 2>}, {pipeline_mode = #tpu.pipeline_mode<synchronous>, transform_indices = @transform_13, window_bounds = array<i64: 64, 64>}, {pipeline_mode = #tpu.pipeline_mode<synchronous>, transform_indices = @transform_14, window_bounds = array<i64: 64, 64>}, {pipeline_mode = #tpu.pipeline_mode<synchronous>, transform_indices = @transform_15, window_bounds = array<i64: 64, 1>}, {transform_indices = @transform_16, window_bounds = array<i64: 64, 2048>}]} {
    %get3A = arith.constant 0 : index
    %get3A_0 = arith.constant 0 : index
    %get3A_1 = vector.load %arg6[%get3A, %get3A_0] : memref<256x8xf32, #tpu.memory_space<vmem>>, vector<256x8xf32>
    %get3A_2 = arith.constant 0 : index
    %get3A_3 = arith.constant 0 : index
    %get3A_4 = vector.load %arg7[%get3A_2, %get3A_3] : memref<8x96xf32, #tpu.memory_space<vmem>>, vector<8x96xf32>
    %dot_general3A = arith.constant dense<0.000000e+00> : vector<256x96xf32>
    %dot_general3A_5 = tpu.matmul %get3A_1, %get3A_4, %dot_general3A {dimension_numbers = #tpu.dot_dimension_numbers<[1], [0], [0], [1], [0, 0, 1, 1], [], []>, transpose_lhs_hint = false} : vector<256x8xf32>, vector<8x96xf32>, vector<256x96xf32> -> vector<256x96xf32>
    %convert_element_type3A = arith.truncf %dot_general3A_5 : vector<256x96xf32> to vector<256x96xbf16>
    %get3A_6 = arith.constant 0 : index
    %get3A_7 = arith.constant 0 : index
    %get3A_8 = vector.load %arg8[%get3A_6, %get3A_7] : memref<256x64xf32, #tpu.memory_space<vmem>>, vector<256x64xf32>
    %convert_element_type3A_9 = arith.truncf %get3A_8 : vector<256x64xf32> to vector<256x64xbf16>
    %get3A_10 = arith.constant 0 : index
    %get3A_11 = arith.constant 0 : index
    %get3A_12 = vector.load %arg9[%get3A_10, %get3A_11] : memref<256x1xf32, #tpu.memory_space<vmem>>, vector<256x1xf32>
    %iota3A = tpu.iota {dimensions = array<i32: 0>} : vector<96x4096xi32>
    %convert_element_type3A_13 = arith.sitofp %iota3A : vector<96x4096xi32> to vector<96x4096xf32>
    %broadcast_in_dim3A = arith.constant 0.000000e+00 : f32
    %broadcast_in_dim3A_14 = vector.broadcast %broadcast_in_dim3A : f32 to vector<64x4096xf32>
    %broadcast_in_dim3A_15 = arith.constant 0.000000e+00 : f32
    %broadcast_in_dim3A_16 = vector.broadcast %broadcast_in_dim3A_15 : f32 to vector<64x4096xf32>
    %scan3A = arith.constant 0 : i32
    %scan3A_17 = arith.constant 20 : i32
    %scan3A_18 = arith.addi %scan3A, %scan3A_17 : i32
    %scan3A_19 = arith.constant 1 : i32
    %scan3A_20:2 = scf.for %scan3A_99 = %scan3A to %scan3A_18 step %scan3A_19 iter_args(%scan3A_100 = %broadcast_in_dim3A_14, %scan3A_101 = %broadcast_in_dim3A_16) -> (vector<64x4096xf32>, vector<64x4096xf32>)  : i32 {
      %get3A_102 = arith.index_cast %scan3A_99 : i32 to index
      %get3A_103 = arith.constant 0 : index
      %get3A_104 = vector.load %arg1[%get3A_102, %get3A_103] : memref<20x4096xf32, #tpu.memory_space<vmem>>, vector<1x4096xf32>
      %get3A_105 = vector.shape_cast %get3A_104 : vector<1x4096xf32> to vector<4096xf32>
      %broadcast_in_dim3A_106 = vector.shape_cast %get3A_105 : vector<4096xf32> to vector<1x4096xf32>
      %eq3A_107 = vector.broadcast %broadcast_in_dim3A_106 : vector<1x4096xf32> to vector<96x4096xf32>
      %eq3A_108 = arith.cmpf oeq, %convert_element_type3A_13, %eq3A_107 : vector<96x4096xf32>
      %convert_element_type3A_109 = arith.extui %eq3A_108 : vector<96x4096xi1> to vector<96x4096xi32>
      %convert_element_type3A_110 = arith.sitofp %convert_element_type3A_109 : vector<96x4096xi32> to vector<96x4096xf32>
      %convert_element_type3A_111 = arith.truncf %convert_element_type3A_110 : vector<96x4096xf32> to vector<96x4096xbf16>
      %dot_general3A_112 = arith.constant dense<0.000000e+00> : vector<256x4096xf32>
      %dot_general3A_113 = tpu.matmul %convert_element_type3A, %convert_element_type3A_111, %dot_general3A_112 {dimension_numbers = #tpu.dot_dimension_numbers<[1], [0], [0], [1], [0, 0, 1, 1], [], []>, transpose_lhs_hint = false} : vector<256x96xbf16>, vector<96x4096xbf16>, vector<256x4096xf32> -> vector<256x4096xf32>
      %convert_element_type3A_114 = arith.truncf %scan3A_100 : vector<64x4096xf32> to vector<64x4096xbf16>
      %dot_general3A_115 = arith.constant dense<0.000000e+00> : vector<256x4096xf32>
      %dot_general3A_116 = tpu.matmul %convert_element_type3A_9, %convert_element_type3A_114, %dot_general3A_115 {dimension_numbers = #tpu.dot_dimension_numbers<[1], [0], [0], [1], [0, 0, 1, 1], [], []>, transpose_lhs_hint = false} : vector<256x64xbf16>, vector<64x4096xbf16>, vector<256x4096xf32> -> vector<256x4096xf32>
      %add3A_117 = arith.addf %dot_general3A_113, %dot_general3A_116 : vector<256x4096xf32>
      %add3A_118 = vector.broadcast %get3A_12 : vector<256x1xf32> to vector<256x4096xf32>
      %add3A_119 = arith.addf %add3A_117, %add3A_118 : vector<256x4096xf32>
      %slice3A_120 = vector.extract_strided_slice %add3A_119 {offsets = [0, 0], sizes = [64, 4096], strides = [1, 1]} : vector<256x4096xf32> to vector<64x4096xf32>
      %logistic3A = arith.negf %slice3A_120 : vector<64x4096xf32>
      %logistic3A_121 = math.exp %logistic3A : vector<64x4096xf32>
      %logistic3A_122 = arith.constant 1.000000e+00 : f32
      %logistic3A_123 = vector.broadcast %logistic3A_122 : f32 to vector<64x4096xf32>
      %logistic3A_124 = arith.addf %logistic3A_123, %logistic3A_121 : vector<64x4096xf32>
      %logistic3A_125 = arith.divf %logistic3A_123, %logistic3A_124 : vector<64x4096xf32>
      %slice3A_126 = vector.extract_strided_slice %add3A_119 {offsets = [64, 0], sizes = [64, 4096], strides = [1, 1]} : vector<256x4096xf32> to vector<64x4096xf32>
      %logistic3A_127 = arith.negf %slice3A_126 : vector<64x4096xf32>
      %logistic3A_128 = math.exp %logistic3A_127 : vector<64x4096xf32>
      %logistic3A_129 = arith.constant 1.000000e+00 : f32
      %logistic3A_130 = vector.broadcast %logistic3A_129 : f32 to vector<64x4096xf32>
      %logistic3A_131 = arith.addf %logistic3A_130, %logistic3A_128 : vector<64x4096xf32>
      %logistic3A_132 = arith.divf %logistic3A_130, %logistic3A_131 : vector<64x4096xf32>
      %slice3A_133 = vector.extract_strided_slice %add3A_119 {offsets = [128, 0], sizes = [64, 4096], strides = [1, 1]} : vector<256x4096xf32> to vector<64x4096xf32>
      %tanh3A = math.tanh %slice3A_133 : vector<64x4096xf32>
      %slice3A_134 = vector.extract_strided_slice %add3A_119 {offsets = [192, 0], sizes = [64, 4096], strides = [1, 1]} : vector<256x4096xf32> to vector<64x4096xf32>
      %logistic3A_135 = arith.negf %slice3A_134 : vector<64x4096xf32>
      %logistic3A_136 = math.exp %logistic3A_135 : vector<64x4096xf32>
      %logistic3A_137 = arith.constant 1.000000e+00 : f32
      %logistic3A_138 = vector.broadcast %logistic3A_137 : f32 to vector<64x4096xf32>
      %logistic3A_139 = arith.addf %logistic3A_138, %logistic3A_136 : vector<64x4096xf32>
      %logistic3A_140 = arith.divf %logistic3A_138, %logistic3A_139 : vector<64x4096xf32>
      %mul3A_141 = arith.mulf %logistic3A_132, %scan3A_101 : vector<64x4096xf32>
      %mul3A_142 = arith.mulf %logistic3A_125, %tanh3A : vector<64x4096xf32>
      %add3A_143 = arith.addf %mul3A_141, %mul3A_142 : vector<64x4096xf32>
      %tanh3A_144 = math.tanh %add3A_143 : vector<64x4096xf32>
      %mul3A_145 = arith.mulf %logistic3A_140, %tanh3A_144 : vector<64x4096xf32>
      scf.yield %mul3A_145, %add3A_143 : vector<64x4096xf32>, vector<64x4096xf32>
    }
    %scan3A_21 = arith.constant 20 : i32
    %get3A_22 = arith.constant 0 : index
    %get3A_23 = arith.constant 0 : index
    %get3A_24 = vector.load %arg16[%get3A_22, %get3A_23] : memref<64x1xf32, #tpu.memory_space<vmem>>, vector<64x1xf32>
    %get3A_25 = arith.constant 0 : index
    %get3A_26 = arith.constant 0 : index
    %get3A_27 = vector.load %arg14[%get3A_25, %get3A_26] : memref<64x64xf32, #tpu.memory_space<vmem>>, vector<64x64xf32>
    %slice3A = vector.extract_strided_slice %scan3A_20#0 {offsets = [0, 0], sizes = [64, 2048], strides = [1, 1]} : vector<64x4096xf32> to vector<64x2048xf32>
    %dot_general3A_28 = arith.constant dense<0.000000e+00> : vector<64x2048xf32>
    %dot_general3A_29 = tpu.matmul %get3A_27, %slice3A, %dot_general3A_28 {dimension_numbers = #tpu.dot_dimension_numbers<[1], [0], [0], [1], [0, 0, 1, 1], [], []>, transpose_lhs_hint = false} : vector<64x64xf32>, vector<64x2048xf32>, vector<64x2048xf32> -> vector<64x2048xf32>
    %add3A = vector.broadcast %get3A_24 : vector<64x1xf32> to vector<64x2048xf32>
    %add3A_30 = arith.addf %add3A, %dot_general3A_29 : vector<64x2048xf32>
    %get3A_31 = arith.constant 0 : index
    %get3A_32 = arith.constant 0 : index
    %get3A_33 = vector.load %arg15[%get3A_31, %get3A_32] : memref<64x64xf32, #tpu.memory_space<vmem>>, vector<64x64xf32>
    %slice3A_34 = vector.extract_strided_slice %scan3A_20#0 {offsets = [0, 2048], sizes = [64, 2048], strides = [1, 1]} : vector<64x4096xf32> to vector<64x2048xf32>
    %dot_general3A_35 = arith.constant dense<0.000000e+00> : vector<64x2048xf32>
    %dot_general3A_36 = tpu.matmul %get3A_33, %slice3A_34, %dot_general3A_35 {dimension_numbers = #tpu.dot_dimension_numbers<[1], [0], [0], [1], [0, 0, 1, 1], [], []>, transpose_lhs_hint = false} : vector<64x64xf32>, vector<64x2048xf32>, vector<64x2048xf32> -> vector<64x2048xf32>
    %add3A_37 = arith.addf %add3A_30, %dot_general3A_36 : vector<64x2048xf32>
    %get3A_38 = arith.constant 0 : index
    %get3A_39 = arith.constant 0 : index
    %get3A_40 = vector.load %arg10[%get3A_38, %get3A_39] : memref<64x8xf32, #tpu.memory_space<vmem>>, vector<64x8xf32>
    %get3A_41 = arith.constant 0 : index
    %get3A_42 = arith.constant 0 : index
    %get3A_43 = vector.load %arg11[%get3A_41, %get3A_42] : memref<8x104xf32, #tpu.memory_space<vmem>>, vector<8x104xf32>
    %dot_general3A_44 = arith.constant dense<0.000000e+00> : vector<64x104xf32>
    %dot_general3A_45 = tpu.matmul %get3A_40, %get3A_43, %dot_general3A_44 {dimension_numbers = #tpu.dot_dimension_numbers<[1], [0], [0], [1], [0, 0, 1, 1], [], []>, transpose_lhs_hint = false} : vector<64x8xf32>, vector<8x104xf32>, vector<64x104xf32> -> vector<64x104xf32>
    %iota3A_46 = tpu.iota {dimensions = array<i32: 0>} : vector<104x2048xi32>
    %convert_element_type3A_47 = arith.sitofp %iota3A_46 : vector<104x2048xi32> to vector<104x2048xf32>
    %get3A_48 = arith.constant 0 : index
    %get3A_49 = arith.constant 0 : index
    %get3A_50 = vector.load %arg2[%get3A_48, %get3A_49] : memref<1x2048xf32, #tpu.memory_space<vmem>>, vector<1x2048xf32>
    %eq3A = vector.broadcast %get3A_50 : vector<1x2048xf32> to vector<104x2048xf32>
    %eq3A_51 = arith.cmpf oeq, %convert_element_type3A_47, %eq3A : vector<104x2048xf32>
    %convert_element_type3A_52 = arith.extui %eq3A_51 : vector<104x2048xi1> to vector<104x2048xi32>
    %convert_element_type3A_53 = arith.sitofp %convert_element_type3A_52 : vector<104x2048xi32> to vector<104x2048xf32>
    %dot_general3A_54 = arith.constant dense<0.000000e+00> : vector<64x2048xf32>
    %dot_general3A_55 = tpu.matmul %dot_general3A_45, %convert_element_type3A_53, %dot_general3A_54 {dimension_numbers = #tpu.dot_dimension_numbers<[1], [0], [0], [1], [0, 0, 1, 1], [], []>, transpose_lhs_hint = false} : vector<64x104xf32>, vector<104x2048xf32>, vector<64x2048xf32> -> vector<64x2048xf32>
    %add3A_56 = arith.addf %add3A_37, %dot_general3A_55 : vector<64x2048xf32>
    %get3A_57 = arith.constant 0 : index
    %get3A_58 = arith.constant 0 : index
    %get3A_59 = vector.load %arg12[%get3A_57, %get3A_58] : memref<64x2xf32, #tpu.memory_space<vmem>>, vector<64x2xf32>
    %get3A_60 = arith.constant 0 : index
    %get3A_61 = arith.constant 0 : index
    %get3A_62 = vector.load %arg5[%get3A_60, %get3A_61] : memref<2x2xf32, #tpu.memory_space<vmem>>, vector<2x2xf32>
    %dot_general3A_63 = arith.constant dense<0.000000e+00> : vector<64x2xf32>
    %dot_general3A_64 = tpu.matmul %get3A_59, %get3A_62, %dot_general3A_63 {dimension_numbers = #tpu.dot_dimension_numbers<[1], [0], [0], [1], [0, 0, 1, 1], [], []>, transpose_lhs_hint = false} : vector<64x2xf32>, vector<2x2xf32>, vector<64x2xf32> -> vector<64x2xf32>
    %get3A_65 = arith.constant 0 : index
    %get3A_66 = arith.constant 0 : index
    %get3A_67 = vector.load %arg13[%get3A_65, %get3A_66] : memref<64x2xf32, #tpu.memory_space<vmem>>, vector<64x2xf32>
    %get3A_68 = arith.constant 0 : index
    %get3A_69 = arith.constant 0 : index
    %get3A_70 = vector.load %arg5[%get3A_68, %get3A_69] : memref<2x2xf32, #tpu.memory_space<vmem>>, vector<2x2xf32>
    %dot_general3A_71 = arith.constant dense<0.000000e+00> : vector<64x2xf32>
    %dot_general3A_72 = tpu.matmul %get3A_67, %get3A_70, %dot_general3A_71 {dimension_numbers = #tpu.dot_dimension_numbers<[1], [0], [0], [1], [0, 0, 1, 1], [], []>, transpose_lhs_hint = false} : vector<64x2xf32>, vector<2x2xf32>, vector<64x2xf32> -> vector<64x2xf32>
    %slice3A_73 = vector.extract_strided_slice %dot_general3A_64 {offsets = [0, 0], sizes = [64, 1], strides = [1, 1]} : vector<64x2xf32> to vector<64x1xf32>
    %add3A_74 = vector.broadcast %slice3A_73 : vector<64x1xf32> to vector<64x2048xf32>
    %add3A_75 = arith.addf %add3A_56, %add3A_74 : vector<64x2048xf32>
    %get3A_76 = arith.constant 0 : index
    %get3A_77 = arith.constant 0 : index
    %get3A_78 = vector.load %arg3[%get3A_76, %get3A_77] : memref<1x2048xf32, #tpu.memory_space<vmem>>, vector<1x2048xf32>
    %slice3A_79 = vector.extract_strided_slice %dot_general3A_64 {offsets = [0, 1], sizes = [64, 1], strides = [1, 1]} : vector<64x2xf32> to vector<64x1xf32>
    %slice3A_80 = vector.extract_strided_slice %dot_general3A_64 {offsets = [0, 0], sizes = [64, 1], strides = [1, 1]} : vector<64x2xf32> to vector<64x1xf32>
    %sub3A = arith.subf %slice3A_79, %slice3A_80 : vector<64x1xf32>
    %mul3A = vector.broadcast %get3A_78 : vector<1x2048xf32> to vector<64x2048xf32>
    %mul3A_81 = vector.broadcast %sub3A : vector<64x1xf32> to vector<64x2048xf32>
    %mul3A_82 = arith.mulf %mul3A, %mul3A_81 : vector<64x2048xf32>
    %add3A_83 = arith.addf %add3A_75, %mul3A_82 : vector<64x2048xf32>
    %slice3A_84 = vector.extract_strided_slice %dot_general3A_72 {offsets = [0, 0], sizes = [64, 1], strides = [1, 1]} : vector<64x2xf32> to vector<64x1xf32>
    %add3A_85 = vector.broadcast %slice3A_84 : vector<64x1xf32> to vector<64x2048xf32>
    %add3A_86 = arith.addf %add3A_83, %add3A_85 : vector<64x2048xf32>
    %get3A_87 = arith.constant 0 : index
    %get3A_88 = arith.constant 0 : index
    %get3A_89 = vector.load %arg4[%get3A_87, %get3A_88] : memref<1x2048xf32, #tpu.memory_space<vmem>>, vector<1x2048xf32>
    %slice3A_90 = vector.extract_strided_slice %dot_general3A_72 {offsets = [0, 1], sizes = [64, 1], strides = [1, 1]} : vector<64x2xf32> to vector<64x1xf32>
    %slice3A_91 = vector.extract_strided_slice %dot_general3A_72 {offsets = [0, 0], sizes = [64, 1], strides = [1, 1]} : vector<64x2xf32> to vector<64x1xf32>
    %sub3A_92 = arith.subf %slice3A_90, %slice3A_91 : vector<64x1xf32>
    %mul3A_93 = vector.broadcast %get3A_89 : vector<1x2048xf32> to vector<64x2048xf32>
    %mul3A_94 = vector.broadcast %sub3A_92 : vector<64x1xf32> to vector<64x2048xf32>
    %mul3A_95 = arith.mulf %mul3A_93, %mul3A_94 : vector<64x2048xf32>
    %add3A_96 = arith.addf %add3A_86, %mul3A_95 : vector<64x2048xf32>
    %swap3A = arith.constant 0 : index
    %swap3A_97 = arith.constant 0 : index
    %swap3A_98 = vector.load %arg17[%swap3A, %swap3A_97] : memref<64x2048xf32, #tpu.memory_space<vmem>>, vector<64x2048xf32>
    tpu.vector_store %arg17[%swap3A, %swap3A_97], %add3A_96 {strides = array<i32>} : memref<64x2048xf32, #tpu.memory_space<vmem>>, vector<64x2048xf32>,
    return
  }
  func.func @transform_0(%arg0: i32) -> (i32, i32) {
    %c0_i32 = arith.constant 0 : i32
    %c0_i32_0 = arith.constant 0 : i32
    return %c0_i32, %arg0 : i32, i32
  }
  func.func @transform_1(%arg0: i32) -> (i32, i32) {
    %c0_i32 = arith.constant 0 : i32
    %c0_i32_0 = arith.constant 0 : i32
    return %c0_i32, %arg0 : i32, i32
  }
  func.func @transform_2(%arg0: i32) -> (i32, i32) {
    %c0_i32 = arith.constant 0 : i32
    %c0_i32_0 = arith.constant 0 : i32
    return %c0_i32, %arg0 : i32, i32
  }
  func.func @transform_3(%arg0: i32) -> (i32, i32) {
    %c0_i32 = arith.constant 0 : i32
    %c0_i32_0 = arith.constant 0 : i32
    return %c0_i32, %arg0 : i32, i32
  }
  func.func @transform_4(%arg0: i32) -> (i32, i32) {
    %c0_i32 = arith.constant 0 : i32
    %c0_i32_0 = arith.constant 0 : i32
    %c0_i32_1 = arith.constant 0 : i32
    return %c0_i32, %c0_i32_0 : i32, i32
  }
  func.func @transform_5(%arg0: i32) -> (i32, i32) {
    %c0_i32 = arith.constant 0 : i32
    %c0_i32_0 = arith.constant 0 : i32
    %c0_i32_1 = arith.constant 0 : i32
    return %c0_i32, %c0_i32_0 : i32, i32
  }
  func.func @transform_6(%arg0: i32) -> (i32, i32) {
    %c0_i32 = arith.constant 0 : i32
    %c0_i32_0 = arith.constant 0 : i32
    %c0_i32_1 = arith.constant 0 : i32
    return %c0_i32, %c0_i32_0 : i32, i32
  }
  func.func @transform_7(%arg0: i32) -> (i32, i32) {
    %c0_i32 = arith.constant 0 : i32
    %c0_i32_0 = arith.constant 0 : i32
    %c0_i32_1 = arith.constant 0 : i32
    return %c0_i32, %c0_i32_0 : i32, i32
  }
  func.func @transform_8(%arg0: i32) -> (i32, i32) {
    %c0_i32 = arith.constant 0 : i32
    %c0_i32_0 = arith.constant 0 : i32
    %c0_i32_1 = arith.constant 0 : i32
    return %c0_i32, %c0_i32_0 : i32, i32
  }
  func.func @transform_9(%arg0: i32) -> (i32, i32) {
    %c0_i32 = arith.constant 0 : i32
    %c0_i32_0 = arith.constant 0 : i32
    %c0_i32_1 = arith.constant 0 : i32
    return %c0_i32, %c0_i32_0 : i32, i32
  }
  func.func @transform_10(%arg0: i32) -> (i32, i32) {
    %c0_i32 = arith.constant 0 : i32
    %c0_i32_0 = arith.constant 0 : i32
    %c0_i32_1 = arith.constant 0 : i32
    return %c0_i32, %c0_i32_0 : i32, i32
  }
  func.func @transform_11(%arg0: i32) -> (i32, i32) {
    %c0_i32 = arith.constant 0 : i32
    %c0_i32_0 = arith.constant 0 : i32
    %c0_i32_1 = arith.constant 0 : i32
    return %c0_i32, %c0_i32_0 : i32, i32
  }
  func.func @transform_12(%arg0: i32) -> (i32, i32) {
    %c0_i32 = arith.constant 0 : i32
    %c0_i32_0 = arith.constant 0 : i32
    %c0_i32_1 = arith.constant 0 : i32
    return %c0_i32, %c0_i32_0 : i32, i32
  }
  func.func @transform_13(%arg0: i32) -> (i32, i32) {
    %c0_i32 = arith.constant 0 : i32
    %c0_i32_0 = arith.constant 0 : i32
    %c0_i32_1 = arith.constant 0 : i32
    return %c0_i32, %c0_i32_0 : i32, i32
  }
  func.func @transform_14(%arg0: i32) -> (i32, i32) {
    %c0_i32 = arith.constant 0 : i32
    %c0_i32_0 = arith.constant 0 : i32
    %c0_i32_1 = arith.constant 0 : i32
    return %c0_i32, %c0_i32_0 : i32, i32
  }
  func.func @transform_15(%arg0: i32) -> (i32, i32) {
    %c0_i32 = arith.constant 0 : i32
    %c0_i32_0 = arith.constant 0 : i32
    %c0_i32_1 = arith.constant 0 : i32
    return %c0_i32, %c0_i32_0 : i32, i32
  }
  func.func @transform_16(%arg0: i32) -> (i32, i32) {
    %c0_i32 = arith.constant 0 : i32
    %c0_i32_0 = arith.constant 0 : i32
    return %c0_i32, %arg0 : i32, i32
  }
}

module attributes {stable_mosaic.version = 14 : i64} {
  func.func @_tc_body_b(%arg0: memref<64x4096xf32, #tpu.memory_space<vmem>>, %arg1: memref<2x8x4096xf32, #tpu.memory_space<vmem>>, %arg2: memref<64x8xf32, #tpu.memory_space<vmem>>, %arg3: memref<64x8xf32, #tpu.memory_space<vmem>>, %arg4: memref<64x4096xf32, #tpu.memory_space<vmem>>) attributes {dimension_semantics = [], scalar_prefetch = 0 : i64, scratch_operands = 0 : i64, tpu.core_type = #tpu.core_type<tc>} {
    %get3A = arith.constant 0 : index
    %get3A_0 = arith.constant 0 : index
    %get3A_1 = vector.load %arg0[%get3A, %get3A_0] : memref<64x4096xf32, #tpu.memory_space<vmem>>, vector<64x4096xf32>
    %get3A_2 = arith.constant 0 : index
    %get3A_3 = arith.constant 0 : index
    %get3A_4 = vector.load %arg2[%get3A_2, %get3A_3] : memref<64x8xf32, #tpu.memory_space<vmem>>, vector<64x8xf32>
    %get3A_5 = arith.constant 0 : index
    %get3A_6 = arith.constant 0 : index
    %get3A_7 = arith.constant 0 : index
    %get3A_8 = vector.load %arg1[%get3A_5, %get3A_6, %get3A_7] : memref<2x8x4096xf32, #tpu.memory_space<vmem>>, vector<1x8x4096xf32>
    %get3A_9 = vector.shape_cast %get3A_8 : vector<1x8x4096xf32> to vector<8x4096xf32>
    %dot_general3A = arith.constant dense<0.000000e+00> : vector<64x4096xf32>
    %dot_general3A_10 = tpu.matmul %get3A_4, %get3A_9, %dot_general3A {dimension_numbers = #tpu.dot_dimension_numbers<[1], [0], [0], [1], [0, 0, 1, 1], [], []>, transpose_lhs_hint = false} : vector<64x8xf32>, vector<8x4096xf32>, vector<64x4096xf32> -> vector<64x4096xf32>
    %add3A = arith.addf %get3A_1, %dot_general3A_10 : vector<64x4096xf32>
    %get3A_11 = arith.constant 0 : index
    %get3A_12 = arith.constant 0 : index
    %get3A_13 = vector.load %arg3[%get3A_11, %get3A_12] : memref<64x8xf32, #tpu.memory_space<vmem>>, vector<64x8xf32>
    %get3A_14 = arith.constant 1 : index
    %get3A_15 = arith.constant 0 : index
    %get3A_16 = arith.constant 0 : index
    %get3A_17 = vector.load %arg1[%get3A_14, %get3A_15, %get3A_16] : memref<2x8x4096xf32, #tpu.memory_space<vmem>>, vector<1x8x4096xf32>
    %get3A_18 = vector.shape_cast %get3A_17 : vector<1x8x4096xf32> to vector<8x4096xf32>
    %dot_general3A_19 = arith.constant dense<0.000000e+00> : vector<64x4096xf32>
    %dot_general3A_20 = tpu.matmul %get3A_13, %get3A_18, %dot_general3A_19 {dimension_numbers = #tpu.dot_dimension_numbers<[1], [0], [0], [1], [0, 0, 1, 1], [], []>, transpose_lhs_hint = false} : vector<64x8xf32>, vector<8x4096xf32>, vector<64x4096xf32> -> vector<64x4096xf32>
    %add3A_21 = arith.addf %add3A, %dot_general3A_20 : vector<64x4096xf32>
    %max3A = arith.constant 0.000000e+00 : f32
    %max3A_22 = vector.broadcast %max3A : f32 to vector<64x4096xf32>
    %max3A_23 = arith.maximumf %add3A_21, %max3A_22 : vector<64x4096xf32>
    %swap3A = arith.constant 0 : index
    %swap3A_24 = arith.constant 0 : index
    %swap3A_25 = vector.load %arg4[%swap3A, %swap3A_24] : memref<64x4096xf32, #tpu.memory_space<vmem>>, vector<64x4096xf32>
    tpu.vector_store %arg4[%swap3A, %swap3A_24], %max3A_23 {strides = array<i32>} : memref<64x4096xf32, #tpu.memory_space<vmem>>, vector<64x4096xf32>,
    return
  }
}

</mosaic_0001>

<sc_bundles>
// kernel: kernel.5.cloned.1.call-start
scs
__scs_entry_jumppad:
0x0: {  	(pc) =	sbr.rel $0x88, $3  }
0x1: {  	(tag) =	ssettag $0x0;
	lr =	simm.s32 $0x1  }
0x2: {  	[smem:$0x3F90] =	sst lr;
	_ =	strace $0xD0000000  }
0x3: {  	_ = 	snop  }
0x4: {  	_ = 	snop  }
0x5: {  	_ = 	snop  }
0x6: {  	_ = 	snop  }
0x7: {  	_ = 	snop  }
__scs_overlays_trampoline_lowered:
0x8: {  	[smem:$0x3F9F] =	sst s0  }
0x9: {  	[smem:$0x3FA0] =	sst s1  }
0xa: {  	[smem:$0x3FA1] =	sst s2  }
0xb: {  	[smem:$0x3FA2] =	sst s3  }
0xc: {  	[smem:$0x3FA3] =	sst s4  }
0xd: {  	[smem:$0x3FA4] =	sst s5  }
0xe: {  	[smem:$0x3FA5] =	sst s6  }
0xf: {  	[smem:$0x3FA6] =	sst s7  }
0x10: {  	[smem:$0x3FA7] =	sst s8  }
0x11: {  	[smem:$0x3FA8] =	sst s9;
	s0 =	simm.s32 @!p0 $0x0  }
0x12: {  	s1 =	sld [smem:$0x3F8E];
	s0 =	simm.s32 @p0 $0x1  }
0x13: {  	[smem:$0x3FA9] =	sst s0;
	s0 =	simm.s32 @!p1 $0x0  }
0x14: {  	s2 =	sld [smem:$0x3F8D];
	s0 =	simm.s32 @p1 $0x1  }
0x15: {  	[smem:$0x3FAA] =	sst s0;
	s0 =	simm.s32 @!p2 $0x0  }
0x16: {  	s3 =	sld [smem:$0x3FDB];
	s0 =	simm.s32 @p2 $0x1  }
0x17: {  	s4 =	simm.s32 $0x1BF5;
	[smem:$0x3FAC] =	sst s0  }
0x18: {  	s0 =	sld [smem:$0x3F8F];
	_ =	swait.ge [sflag:s4], $0x0  }
0x19: {  	s7 =	sld [smem:$0x3F90]  }
0x1a: {  	s8 =	sadd.s32 $0xFFFFE003, lr  }
0x1b: {  	s9 =	sadd.s32 $0xFFFFFEF7, lr;
	s5 =	simm.s32 $0xFFFFFFFF;
	p2 =	slt.u32 s8, $0xFFFFF086  }
0x1c: {  	p1 =	slt.u32 s9, $0xF7A;
	s5 =	simm.s32 @!p2 $0x0  }
0x1d: {  	s5 =	simm.s32 @p1 $0x1;
	p0 =	seq.s32 s7, s2  }
0x1e: {  	s7 =	smul.u32 @!p0 $0xF7A, s2;
	p2 =	seq.s32 @!p0 s5, $0x0  }
0x1f: {  	s9 =	smul.u32 $0xF7A, s1;
	s8 =	simm.s32 @!p0 $0x1BF5;
	p2 =	por !p2, p0  }
0x20: {  	[sflag:s8] =	ssyncset.s32 @!p0 $0xFFFFF086;
	s6 =	sadd.s32 @!p0 s3, s7;
	s7 =	simm.s32 @!p0 $0x108  }
0x21: {  	s3 =	sadd.s32 s3, s9;
	s6 =	sadd.s32 @!p0 $0x88, s6;
	s7 =	simm.s32 @p2 $0x1082  }
0x22: {  	[simem:s7], [sflag:s8] =	dma.local @!p0 [hbm:s6], $0xF7A  }
0x23: {  	s9 =	sor.u32 $0xD0000000, s2;
	s6 =	simm.s32 $0x108;
	_ =	swait.ge @!p0 [sflag:s8], $0x0  }
0x24: {  	s3 =	sadd.s32 $0x88, s3;
	s6 =	simm.s32 @!p1 $0x1082;
	[sflag:s4] =	ssyncset.s32 $0xFFFFF086  }
0x25: {  	[simem:s6], [sflag:s4] =	dma.local [hbm:s3], $0xF7A  }
0x26: {  	[smem:$0x3F90] =	sst s1;
	(tag) =	ssettag s2;
	_ =	strace s9  }
0x27: {  	s1 =	sld [smem:$0x3FA0]  }
0x28: {  	s2 =	sld [smem:$0x3FA1]  }
0x29: {  	s4 =	sld [smem:$0x3FA3]  }
0x2a: {  	p0 =	seq.s32 s5, $0x0;
	s5 =	sld [smem:$0x3FA4]  }
0x2b: {  	s6 =	sld [smem:$0x3FA5]  }
0x2c: {  	s7 =	sld [smem:$0x3FA6]  }
0x2d: {  	s3 =	simm.s32 $0x108;
	s8 =	sld [smem:$0x3FA7]  }
0x2e: {  	s3 =	simm.s32 @!p0 $0x1082;
	s9 =	sld [smem:$0x3FA8]  }
0x2f: {  	lr =	sadd.s32 s0, s3;
	s0 =	sld [smem:$0x3F9F]  }
0x30: {  	s3 =	sld [smem:$0x3FA2]  }
0x31: {  	[smem:$0x3FAB] =	sst s10  }
0x32: {  	s10 =	sld [smem:$0x3FA9];
	_ =	sdelay $0x3  }
0x33: {  	p0 =	seq.s32 s10, $0x1;
	s10 =	sld [smem:$0x3FAB];
	_ =	sdelay $0x3  }
0x34: {  	[smem:$0x3FAB] =	sst s10  }
0x35: {  	s10 =	sld [smem:$0x3FAA];
	_ =	sdelay $0x3  }
0x36: {  	p1 =	seq.s32 s10, $0x1;
	s10 =	sld [smem:$0x3FAB];
	_ =	sdelay $0x3  }
0x37: {  	[smem:$0x3FAB] =	sst s10  }
0x38: {  	s10 =	sld [smem:$0x3FAC]  }
0x39: {  	_ = 	snop;
	(pc) =	sbr.ind lr, $3  }
0x3a: {  	_ = 	snop  }
0x3b: {  	_ = 	snop  }
0x3c: {  	p2 =	seq.s32 s10, $0x1;
	s10 =	sld [smem:$0x3FAB]  }
0x3d: {  	_ =	shalt  }
0x3e: {  	_ =	shalt  }
0x3f: {  	_ =	shalt  }
0x40: {  	_ =	shalt  }
0x41: {  	_ =	shalt  }
0x42: {  	_ =	shalt  }
0x43: {  	_ =	shalt  }
0x44: {  	_ =	shalt  }
0x45: {  	_ =	shalt  }
0x46: {  	_ =	shalt  }
0x47: {  	_ =	shalt  }
0x48: {  	_ =	shalt  }
0x49: {  	_ =	shalt  }
0x4a: {  	_ =	shalt  }
0x4b: {  	_ =	shalt  }
0x4c: {  	_ =	shalt  }
0x4d: {  	_ =	shalt  }
0x4e: {  	_ =	shalt  }
0x4f: {  	_ =	shalt  }
0x50: {  	_ =	shalt  }
0x51: {  	_ =	shalt  }
0x52: {  	_ =	shalt  }
0x53: {  	_ =	shalt  }
0x54: {  	_ =	shalt  }
0x55: {  	_ =	shalt  }
0x56: {  	_ =	shalt  }
0x57: {  	_ =	shalt  }
0x58: {  	_ =	shalt  }
0x59: {  	_ =	shalt  }
0x5a: {  	_ =	shalt  }
0x5b: {  	_ =	shalt  }
0x5c: {  	_ =	shalt  }
0x5d: {  	_ =	shalt  }
0x5e: {  	_ =	shalt  }
0x5f: {  	_ =	shalt  }
0x60: {  	_ =	shalt  }
0x61: {  	_ =	shalt  }
0x62: {  	_ =	shalt  }
0x63: {  	_ =	shalt  }
0x64: {  	_ =	shalt  }
0x65: {  	_ =	shalt  }
0x66: {  	_ =	shalt  }
0x67: {  	_ =	shalt  }
0x68: {  	_ =	shalt  }
0x69: {  	_ =	shalt  }
0x6a: {  	_ =	shalt  }
0x6b: {  	_ =	shalt  }
0x6c: {  	_ =	shalt  }
0x6d: {  	_ =	shalt  }
0x6e: {  	_ =	shalt  }
0x6f: {  	_ =	shalt  }
0x70: {  	_ =	shalt  }
0x71: {  	_ =	shalt  }
0x72: {  	_ =	shalt  }
0x73: {  	_ =	shalt  }
0x74: {  	_ =	shalt  }
0x75: {  	_ =	shalt  }
0x76: {  	_ =	shalt  }
0x77: {  	_ =	shalt  }
0x78: {  	_ =	shalt  }
0x79: {  	_ =	shalt  }
0x7a: {  	_ =	shalt  }
0x7b: {  	_ =	shalt  }
0x7c: {  	_ =	shalt  }
0x7d: {  	_ =	shalt  }
0x7e: {  	_ =	shalt  }
0x7f: {  	_ =	shalt  }
0x80: {  	_ =	shalt  }
0x81: {  	_ =	shalt  }
0x82: {  	_ =	shalt  }
0x83: {  	_ =	shalt  }
0x84: {  	_ =	shalt  }
0x85: {  	_ =	shalt  }
0x86: {  	_ =	shalt  }
0x87: {  	_ =	shalt  }
.Lfunc_end0:
.L_simem_size_0:
called_computation_lowered:
.L_overlay_start_0:
0x88: {  	s2 =	sld [smem:$0x3FD9]  }
0x89: {  	s3 =	sld [smem:$0x3FFE];
	_ =	sdelay $0x1  }
0x8a: {  	s1 =	srdreg.scid  }
0x8b: {  	s0 =	sand.u32 $0x1, s1  }
0x8c: {  	s17 =	sshll.u32 s0, $0xA;
	s2 =	sadd.s32 s3, s2  }
0x8d: {  	s2 =	sadd.s32 s2, s17  }
0x8e: {  	[smem:$0x3FB7] =	sst s2  }
0x8f: {  	_ = 	snop  }
0x90: {  	s2 =	sld [smem:$0x3FD0];
	(tm) =	ssettm $0x1  }
0x91: {  	s18 =	sld [smem:$0x3FFB];
	_ =	sdelay $0x3  }
0x92: {  	_ =	strace s18  }
0x93: {  	s3 =	sld [smem:$0x3FFC];
	_ =	sdelay $0x3  }
0x94: {  	_ =	strace s3  }
0x95: {  	s3 =	sld [smem:$0x3FFD];
	_ =	sdelay $0x3  }
0x96: {  	_ =	strace s3  }
0x97: {  	_ =	strace $0x8FFFFFFF  }
0x98: {  	s19 =	sld [smem:$0x3FDB];
	_ =	sdelay $0x1  }
0x99: {  	s4 =	simm.s32 $_scs_section_size  }
0x9a: {  	s5 =	simm.s32 $_size__tile_overlayer_lowered;
	s6 =	simm.s32 $_tile_overlayer_lowered  }
0x9b: {  	s22 =	simm.s32 $0x1BFF;
	s21 =	sshll.u32 s6, $0x1;
	s3 =	sadd.s32 s4, s19  }
0x9c: {  	s7 =	simm.s32 $0x0;
	s20 =	sshll.u32 s5, $0x1;
	s5 =	sadd.s32 s21, s3  }
0x9d: {  	[timem:s7], [sflag:s22] =	dma.local [hbm:s5], s20  }
0x9e: {  	_ =	swait.ge [sflag:s22], s20  }
0x9f: {  	s4 =	ssub.s32 $0x0, s20;
	[sflag:s22] =	ssyncset.done $0x0  }
0xa0: {  	[sflag:s22] =	ssyncadd.s32 s4;
	_ =	sdelay $0x1  }
0xa1: {  	s23 =	simm.s32 $0x1B8B  }
0xa2: {  	_ =	swait.ge [sflag:s23], $0x1  }
0xa3: {  	[sflag:s23] =	ssyncset.done $0x0  }
0xa4: {  	s25 =	simm.s32 $0x1B8E;
	s24 =	sld [smem:$0x3FFE];
	[sflag:s23] =	ssyncadd.s32 $0xFFFFFFFF  }
0xa5: {  	s26 =	simm.s32 $execute0_lowered;
	[smem:$0x3FD2] =	sst s25  }
0xa6: {  	s5 =	sshll.u32 s26, $0x1;
	_ =	strace $0x80000046;
	[dreg:$0x1] =	wrdreg $0xFFFFFFFF  }
0xa7: {  	s28 =	simm.s32 $_size_execute0_lowered;
	s3 =	sadd.s32 s3, s5;
	[dreg:$0x0] =	wrdreg $0x0  }
0xa8: {  	s5 =	sshll.u32 s28, $0x1;
	[dreg:$0x2] =	wrdreg s3  }
0xa9: {  	[dreg:$0x3] =	wrdreg s5  }
0xaa: {  	[dreg:$0x4] =	wrdreg $0xC0  }
0xab: {  	_ =	task [dreg:s7], $0x5FFFF  }
0xac: {  	[dreg:$0x1] =	wrdreg $0xFFFFFFFF  }
0xad: {  	[dreg:$0x0] =	wrdreg $0x60  }
0xae: {  	[dreg:$0x2] =	wrdreg s24  }
0xaf: {  	[dreg:$0x3] =	wrdreg s2  }
0xb0: {  	[dreg:$0x4] =	wrdreg $0x9  }
0xb1: {  	_ =	task.clear_ibuf [dreg:s7], $0x5FFFF;
	_ =	strace $0x90000046  }
0xb2: {  	s29 =	simm.s32 $0x9;
	_ =	strace $0x80000048  }
0xb3: {  	_ =	swait.ge [sflag:s29], $0x1  }
0xb4: {  	[sflag:s29] =	ssyncadd.s32 $0xFFFFFFFF  }
0xb5: {  	_ =	strace $0x90000048  }
0xb6: {  	_ =	sfence  }
0xb7: {  	s30 =	sld [smem:$0x0];
	_ =	sdelay $0x2  }
0xb8: {  	s31 =	sshll.u32 s1, $0xD;
	s1 =	sshrl.u32 s1, $0x2  }
0xb9: {  	s3 =	sand.u32 $0x4000, s31;
	s1 =	sadd.s32 s1, s30  }
0xba: {  	s0 =	sor.u32 s3, s0;
	s1 =	sshll.u32 s1, $0x11  }
0xbb: {  	s0 =	sor.u32 s1, s0  }
0xbc: {  	s0 =	sadd.s32 $0x8F2B, s0  }
0xbd: {  	[sflag:s0] =	ssyncadd.remote.s32 $0x1  }
0xbe: {  	_ =	sfence.sel $0xFFFF  }
0xbf: {  	[dreg:$0x0] =	wrdreg $0xFFFFFFFF;
	(pc) =	sbr.abs _section_cstart, $3  }
0xc0: {  	[dreg:$0x1] =	wrdreg $0xFFFFFFFF  }
0xc1: {  	_ =	task.clear_ibuf [dreg:s7], $0x2FFFF;
	_ =	strace $0x9FFFFFFF  }
0xc2: {  	(tm) =	ssettm $0x7FFFFFFF  }
0xc3: {  	_ =	shalt  }
tec
execute0_lowered:
.L_overlay_start_1:
0x0: {  	(tag) =	ssettag $0x1  }
0x1: {  	s1 =	srdreg.scid  }
0x2: {  	s0 =	stileid.u32;
	s6 =	sand.u32 $0x1, s1  }
0x3: {  	s5 =	rddreg [dreg:$0x0];
	s30 =	sshll.u32 s0, $0x9;
	s2 =	sshll.u32 s6, $0x8  }
0x4: {  	s8 =	rddreg [dreg:$0x1];
	s9 =	sor.u32 s2, s30  }
0x5: {  	s1 =	rddreg [dreg:$0x2];
	s2 =	simm.s32 $0x0;
	s3 =	sshrl.u32 s9, $0x3  }
0x6: {  	s10 =	ssub.s32 $0x2, s6;
	[smem:$0x7FF] =	sst s2;
	s3 =	sadd.s32 s3, s5  }
0x7: {  	_ =	strace $0x80000047;
	s4 =	sadd.s32 $0x1B200, s3;
	s3 =	simm.s32 $0x2  }
0x8: {  	[tilespmem:s2], [sflag:$0x2] =	stream.linear.gather [hbm4b:s4+s2], $0x100, $0x38;
	[tilespmem:$0x900] =	vst v63  }
0x9: {  	s7 =	simm.s32 $0x1;
	s11 =	sshrl.u32 s10, $0x1;
	_ =	swait.ge [sflag:s3], $0x100  }
0xa: {  	s6 =	simm.s32 $0x100;
	s10 =	ssub.s32 s10, s11;
	[sflag:s3] =	ssyncset.done $0x0  }
0xb: {  	s5 =	sadd.s32 $0x2A00, s5;
	s31 =	smax.u32 s10, $0x1;
	[sflag:s3] =	ssyncadd.s32 $0xFFFFFF00  }
0xc: {  	[tilespmem:s6], [sflag:$0x1] =	stream.indirect.gather [hbm4b:s5+s6], $0x8, s2, s6, $0xb8;
	[tilespmem:$0x900] =	vst v63  }
0xd: {  	p0 =	sne.s32 s31, $0x1;
	_ =	swait.ge [sflag:s7], $0x800  }
.Ltmp0:
0xe: {  	[sflag:s7] =	ssyncset.done $0x0;
	(pc) =	sbr.rel @!p0 .LBB2_2-.Ltmp0, $4  }
0xf: {  	s8 =	sadd.s32 s8, s9;
	[sflag:s7] =	ssyncadd.s32 $0xFFFFF800  }
0x10: {  	[hbm4b:s8+s2] =	stream.linear.scatter [tilespmem:s6], [sflag:$0x2], $0x800, $0x38;
	[tilespmem:$0x900] =	vst v63  }
0x11: {  	_ =	swait.ge [sflag:s3], $0x800  }
0x12: {  	s9 =	sadd.s32 $0xFFFFFFFF, s31;
	[sflag:s3] =	ssyncset.done $0x0  }
.LBB2_1:
0x13: {  	p0 =	sne.s32 s9, $0x1;
	s9 =	sadd.s32 $0xFFFFFFFF, s9;
	[sflag:s3] =	ssyncadd.s32 $0xFFFFF800  }
0x14: {  	[tilespmem:s2], [sflag:$0x2] =	stream.linear.gather [hbm4b:s4+s2], $0x100, $0x38;
	[tilespmem:$0x900] =	vst v63  }
0x15: {  	_ =	swait.ge [sflag:s3], $0x100  }
0x16: {  	[sflag:s3] =	ssyncset.done $0x0  }
0x17: {  	[sflag:s3] =	ssyncadd.s32 $0xFFFFFF00  }
0x18: {  	[tilespmem:s6], [sflag:$0x1] =	stream.indirect.gather [hbm4b:s5+s6], $0x8, s2, s6, $0xb8;
	[tilespmem:$0x900] =	vst v63  }
0x19: {  	_ =	swait.ge [sflag:s7], $0x800  }
.Ltmp1:
0x1a: {  	[sflag:s7] =	ssyncset.done $0x0;
	(pc) =	sbr.rel @p0 .LBB2_1-.Ltmp1, $4  }
0x1b: {  	[sflag:s7] =	ssyncadd.s32 $0xFFFFF800  }
0x1c: {  	[hbm4b:s8+s2] =	stream.linear.scatter [tilespmem:s6], [sflag:$0x2], $0x800, $0x38;
	[tilespmem:$0x900] =	vst v63  }
0x1d: {  	_ =	swait.ge [sflag:s3], $0x800  }
0x1e: {  	[sflag:s3] =	ssyncset.done $0x0  }
.LBB2_2:
0x1f: {  	[sflag:s3] =	ssyncadd.s32 $0xFFFFF800  }
0x20: {  	_ =	sfence.sel $0x180000  }
0x21: {  	[bflag:$0x0] =	sbarrier.arrive $0xFFFF  }
0x22: {  	p0 =	sne.s32 s0, $0x0;
	_ =	strace $0x90000047  }
0x23: {  	s0 =	sadd.s32 @!p0 $0x100000, s1;
	[bflag:$0x2] =	sbarrier.arrive $0xFFFF  }
0x24: {  	[sflag:s0] =	ssyncadd.tile.s32 @!p0 $0x1;
	_ =	shalt  }
.Lfunc_end2:
_tile_overlayer_lowered:
.L_overlay_start_2:
0x25: {  	(tag) =	ssettag $0x2  }
0x26: {  	s0 =	rddreg [dreg:$0x0];
	s2 =	stileid.u32  }
0x27: {  	s1 =	rddreg [dreg:$0x1];
	p0 =	sne.s32 s2, $0x0  }
0x28: {  	s3 =	rddreg [dreg:$0x2];
	[bflag:$0x3] =	sbarrier.arrive $0xFFFF;
	s2 =	simm.s32 @!p0 $0x1C02  }
0x29: {  	[timem:s3], [sflag:s2] =	dma.local @!p0 [hbm:s0], s1  }
0x2a: {  	s0 =	simm.s32 @!p0 $0x2  }
0x2b: {  	_ =	swait.ge @!p0 [sflag:s0], s1  }
0x2c: {  	s1 =	ssub.s32 @!p0 $0x0, s1;
	[sflag:s0] =	ssyncset.done @!p0 $0x0  }
0x2d: {  	[sflag:s0] =	ssyncadd.s32 @!p0 s1  }
0x2e: {  	[bflag:$0x3] =	sbarrier.arrive $0xFFFF  }
0x2f: {  	_ =	shalt  }

</sc_bundles>
